<compile_context>
chip_gen: v7x
topology: tpu7x:2x2x1
jax: 0.10.2.dev20260603
libtpu: 0.0.44.dev20260713+nightly
codegen_flags: <defaults>
</compile_context>

<pallas_src>
import jax
import jax.numpy as jnp
from jax.experimental import pallas as pl
from jax.experimental.pallas import tpu as pltpu

M_BLK = 512
H = M_BLK // 2
N = 64
HID = 32
NL = N + 3


def _ncm_block_kernel(atext_ref, order_ref, do_ref, u_ref,
                      w1t2_ref, wabs_ref, b2_ref,
                      out_ref, gx_ref):
    m_blk = atext_ref.shape[0]
    n = N
    order = order_ref[...]
    do_b = do_ref[...]
    u_b = u_ref[...]

    iota_k = jax.lax.broadcasted_iota(jnp.int32, (m_blk, n, n), 2)
    onehot = (order[:, :, None] == iota_k).astype(jnp.bfloat16)
    gx = jax.lax.dot_general(
        onehot, atext_ref[...],
        dimension_numbers=(((2,), (1,)), ((0,), (0,))),
        preferred_element_type=jnp.float32)
    gx_ref[...] = jax.lax.transpose(gx.astype(jnp.bfloat16), (1, 0, 2))

    lane = jax.lax.broadcasted_iota(jnp.int32, (m_blk, NL), 1)
    wabs = wabs_ref[...].astype(jnp.bfloat16)
    lanef1 = (jax.lax.broadcasted_iota(jnp.int32, (1, NL), 1)
              + 1).astype(jnp.bfloat16)

    outputs0 = jnp.where(lane == do_b, u_b,
                         jnp.where(lane >= n, 1.0, 0.0))
    not_do = lane != do_b

    def body(i, carry):
        outf, outb = carry
        gef = gx_ref[i]
        ins = gef * outb
        t = jax.lax.dot_general(
            ins, w1t2_ref[...],
            dimension_numbers=(((1,), (0,)), ((), ())),
            preferred_element_type=jnp.float32)
        tb = t[:, :HID * N].astype(jnp.bfloat16)
        hw = jnp.abs(tb) * wabs
        hw = hw[:, :1024] + hw[:, 1024:]
        hw = hw[:, :512] + hw[:, 512:]
        hw = hw[:, :256] + hw[:, 256:]
        hw = hw[:, :128] + hw[:, 128:]
        s = (hw[:, :64] + hw[:, 64:]).astype(jnp.float32) + t[:, HID * N:]
        oh = lanef1 == gef[:, NL - 1:]
        val = jnp.sum(jnp.where(oh[:, :n], s, 0.0),
                      axis=1, keepdims=True)
        wr = oh & not_do
        return (jnp.where(wr, val, outf),
                jnp.where(wr, val.astype(jnp.bfloat16), outb))

    outf, _ = jax.lax.fori_loop(
        0, n, body, (outputs0, outputs0.astype(jnp.bfloat16)))
    out_ref[...] = outf[:, :n]


def kernel(Z, A, order, do, W1, b1, W2, b2):
    m, n = Z.shape
    hid = W1.shape[1]
    u = 2.0 + jax.random.normal(jax.random.key(42), (m,), dtype=Z.dtype)

    kid = jnp.broadcast_to(jnp.arange(1, n + 1, dtype=Z.dtype)[None, :, None],
                           (m, n, 1))
    at_ext = jnp.concatenate(
        [jnp.swapaxes(A, 1, 2), Z[:, :, None], jnp.ones((m, n, 1), Z.dtype),
         kid], axis=2).astype(jnp.bfloat16)
    w1f = jnp.transpose(W1, (2, 1, 0)) * W2.T[None]
    bias = (b1.T * W2.T)[None]
    w1t2 = jnp.concatenate(
        [jnp.concatenate([w1f, bias], 0).reshape(n + 2, hid * n),
         jnp.zeros((1, hid * n), Z.dtype)], 0)
    extra = 0.505 * w1t2.reshape(NL, hid, n).sum(axis=1)
    extra = extra.at[n + 1, :].add(b2)
    w1t2 = jnp.concatenate([w1t2, extra], axis=1)
    w1t2 = w1t2.astype(jnp.bfloat16)
    wabs = (0.495 * jnp.sign(W2.T).reshape(1, hid * n)).astype(jnp.float32)
    b2r = b2.reshape(1, n)
    do2 = do.reshape(m, 1)
    u2 = u.reshape(m, 1)

    grid = m // M_BLK
    out = pl.pallas_call(
        _ncm_block_kernel,
        grid=(grid,),
        in_specs=[
            pl.BlockSpec((M_BLK, n, NL), lambda b: (b, 0, 0)),
            pl.BlockSpec((M_BLK, n), lambda b: (b, 0)),
            pl.BlockSpec((M_BLK, 1), lambda b: (b, 0)),
            pl.BlockSpec((M_BLK, 1), lambda b: (b, 0)),
            pl.BlockSpec((NL, hid * n + n), lambda b: (0, 0)),
            pl.BlockSpec((1, hid * n), lambda b: (0, 0)),
            pl.BlockSpec((1, n), lambda b: (0, 0)),
        ],
        out_specs=pl.BlockSpec((M_BLK, n), lambda b: (b, 0)),
        out_shape=jax.ShapeDtypeStruct((m, n), Z.dtype),
        scratch_shapes=[
            pltpu.VMEM((n, M_BLK, NL), jnp.bfloat16),
        ],
    )(at_ext, order, do2, u2, w1t2, wabs, b2r)
    return out

# --- scband reference (transcript-rebuilt; emitter-appended) ---
"""Pipeline reference for scband-ncm-61349312856216 (READ-ONLY COPY).

The authoritative reference and input builder live on the scoring server;
editing this copy changes nothing except your own understanding.
"""

import jax, jax.numpy as jnp
import numpy as np

M = 4096
N = 64
HID = 32


def setup_inputs(seed: int = 0) -> dict:
    key = jax.random.key(seed)
    ks = jax.random.split(key, 8)
    Z = jax.random.normal(ks[0], (M, N), dtype=jnp.float32)
    A = jax.random.uniform(ks[1], (M, N, N), dtype=jnp.float32)
    order = jax.random.randint(ks[2], (M, N), 0, N).astype(jnp.int32)
    do = jax.random.randint(ks[3], (M,), 0, N).astype(jnp.int32)
    lim1 = 1.0 / np.sqrt(N + 1)
    W1 = jax.random.uniform(ks[4], (N, HID, N + 1), minval=-lim1, maxval=lim1, dtype=jnp.float32)
    b1 = jax.random.uniform(ks[5], (N, HID), minval=-lim1, maxval=lim1, dtype=jnp.float32)
    lim2 = 1.0 / np.sqrt(HID)
    W2 = jax.random.uniform(ks[6], (N, HID), minval=-lim2, maxval=lim2, dtype=jnp.float32)
    b2 = jax.random.uniform(ks[7], (N,), minval=-lim2, maxval=lim2, dtype=jnp.float32)
    return {"Z": Z, "A": A, "order": order, "do": do, "W1": W1, "b1": b1, "W2": W2, "b2": b2}


def reference(Z, A, order, do, W1, b1, W2, b2):
    m, n = Z.shape
    rows = jnp.arange(m)
    outputs = jnp.zeros_like(Z)
    # interventional noise u ~ Normal(2, 1), written into outputs[r, do[r]] where do[r] != -1
    u = 2.0 + jax.random.normal(jax.random.key(42), (m,), dtype=Z.dtype)
    intervened = do != -1
    do_idx = jnp.clip(do, 0, n - 1)
    cur0 = outputs[rows, do_idx]
    outputs = outputs.at[rows, do_idx].set(jnp.where(intervened, u, cur0))
    for i in range(n):
        nodes = order[:, i]                     # [m]
        not_int = do != nodes                   # [m]
        masks = A[rows, :, nodes]               # [m, N]: A[r, j, nodes[r]]
        ins = masks * outputs                   # [m, N]
        zcol = Z[rows, nodes][:, None]          # [m, 1]
        ins = jnp.concatenate([ins, zcol], axis=1)  # [m, N+1]
        # per-row MLP with weights gathered by node id (equivalent to torch unique-loop)
        W1g = W1[nodes]                         # [m, HID, N+1]
        b1g = b1[nodes]                         # [m, HID]
        h = jax.nn.leaky_relu(jnp.einsum('moh,mh->mo', W1g, ins) + b1g, negative_slope=0.01)
        out = jnp.sum(W2[nodes] * h, axis=1) + b2[nodes]   # [m]
        cur = outputs[rows, nodes]
        outputs = outputs.at[rows, nodes].set(jnp.where(not_int, out, cur))
    return outputs

if __name__ == "__main__":
    import jax
    _d = setup_inputs()
    print(jax.jit(kernel)(*tuple(_d.values())))

</pallas_src>

<mosaic_0001>
module attributes {stable_mosaic.version = 14 : i64} {
  func.func @_ncm_block_kernel(%arg0: i32, %arg1: memref<512x64x67xbf16, #tpu.memory_space<vmem>>, %arg2: memref<512x64xi32, #tpu.memory_space<vmem>>, %arg3: memref<512x1xi32, #tpu.memory_space<vmem>>, %arg4: memref<512x1xf32, #tpu.memory_space<vmem>>, %arg5: memref<67x2112xbf16, #tpu.memory_space<vmem>>, %arg6: memref<1x2048xf32, #tpu.memory_space<vmem>>, %arg7: memref<1x64xf32, #tpu.memory_space<vmem>>, %arg8: memref<512x64xf32, #tpu.memory_space<vmem>>, %arg9: memref<64x512x67xbf16, #tpu.memory_space<vmem>>) attributes {dimension_semantics = [#tpu.dimension_semantics<arbitrary>], iteration_bounds = array<i64: 8>, scalar_prefetch = 0 : i64, scratch_operands = 1 : i64, tpu.core_type = #tpu.core_type<tc>, window_params = [{transform_indices = @transform_0, window_bounds = array<i64: 512, 64, 67>}, {transform_indices = @transform_1, window_bounds = array<i64: 512, 64>}, {transform_indices = @transform_2, window_bounds = array<i64: 512, 1>}, {transform_indices = @transform_3, window_bounds = array<i64: 512, 1>}, {pipeline_mode = #tpu.pipeline_mode<synchronous>, transform_indices = @transform_4, window_bounds = array<i64: 67, 2112>}, {pipeline_mode = #tpu.pipeline_mode<synchronous>, transform_indices = @transform_5, window_bounds = array<i64: 1, 2048>}, {pipeline_mode = #tpu.pipeline_mode<synchronous>, transform_indices = @transform_6, window_bounds = array<i64: 1, 64>}, {transform_indices = @transform_7, window_bounds = array<i64: 512, 64>}]} {
    %get3A = arith.constant 0 : index
    %get3A_0 = arith.constant 0 : index
    %get3A_1 = vector.load %arg2[%get3A, %get3A_0] : memref<512x64xi32, #tpu.memory_space<vmem>>, vector<512x64xi32>
    %get3A_2 = arith.constant 0 : index
    %get3A_3 = arith.constant 0 : index
    %get3A_4 = vector.load %arg3[%get3A_2, %get3A_3] : memref<512x1xi32, #tpu.memory_space<vmem>>, vector<512x1xi32>
    %get3A_5 = arith.constant 0 : index
    %get3A_6 = arith.constant 0 : index
    %get3A_7 = vector.load %arg4[%get3A_5, %get3A_6] : memref<512x1xf32, #tpu.memory_space<vmem>>, vector<512x1xf32>
    %iota3A = tpu.iota {dimensions = array<i32: 2>} : vector<512x64x64xi32>
    %broadcast_in_dim3A = vector.shape_cast %get3A_1 : vector<512x64xi32> to vector<512x64x1xi32>
    %eq3A = vector.broadcast %broadcast_in_dim3A : vector<512x64x1xi32> to vector<512x64x64xi32>
    %eq3A_8 = arith.cmpi eq, %eq3A, %iota3A : vector<512x64x64xi32>
    %convert_element_type3A = arith.extui %eq3A_8 : vector<512x64x64xi1> to vector<512x64x64xi32>
    %convert_element_type3A_9 = arith.sitofp %convert_element_type3A : vector<512x64x64xi32> to vector<512x64x64xf32>
    %convert_element_type3A_10 = arith.truncf %convert_element_type3A_9 : vector<512x64x64xf32> to vector<512x64x64xbf16>
    %get3A_11 = arith.constant 0 : index
    %get3A_12 = arith.constant 0 : index
    %get3A_13 = arith.constant 0 : index
    %get3A_14 = vector.load %arg1[%get3A_11, %get3A_12, %get3A_13] : memref<512x64x67xbf16, #tpu.memory_space<vmem>>, vector<512x64x67xbf16>
    %dot_general3A = arith.constant dense<0.000000e+00> : vector<512x64x67xf32>
    %dot_general3A_15 = tpu.matmul %convert_element_type3A_10, %get3A_14, %dot_general3A {dimension_numbers = #tpu.dot_dimension_numbers<[2], [1], [1], [2], [0, 0, 0, 1, 1, 2], [0], [0]>, transpose_lhs_hint = false} : vector<512x64x64xbf16>, vector<512x64x67xbf16>, vector<512x64x67xf32> -> vector<512x64x67xf32>
    %convert_element_type3A_16 = arith.truncf %dot_general3A_15 : vector<512x64x67xf32> to vector<512x64x67xbf16>
    %transpose3A = tpu.transpose %convert_element_type3A_16, [1, 0, 2] : vector<512x64x67xbf16> -> vector<64x512x67xbf16>
    %swap3A = arith.constant 0 : index
    %swap3A_17 = arith.constant 0 : index
    %swap3A_18 = arith.constant 0 : index
    %swap3A_19 = vector.load %arg9[%swap3A, %swap3A_17, %swap3A_18] : memref<64x512x67xbf16, #tpu.memory_space<vmem>>, vector<64x512x67xbf16>
    tpu.vector_store %arg9[%swap3A, %swap3A_17, %swap3A_18], %transpose3A {strides = array<i32>} : memref<64x512x67xbf16, #tpu.memory_space<vmem>>, vector<64x512x67xbf16>,
    %iota3A_20 = tpu.iota {dimensions = array<i32: 1>} : vector<512x67xi32>
    %get3A_21 = arith.constant 0 : index
    %get3A_22 = arith.constant 0 : index
    %get3A_23 = vector.load %arg6[%get3A_21, %get3A_22] : memref<1x2048xf32, #tpu.memory_space<vmem>>, vector<1x2048xf32>
    %convert_element_type3A_24 = arith.truncf %get3A_23 : vector<1x2048xf32> to vector<1x2048xbf16>
    %iota3A_25 = tpu.iota {dimensions = array<i32: 1>} : vector<1x67xi32>
    %add3A = arith.constant 1 : i32
    %add3A_26 = vector.broadcast %add3A : i32 to vector<1x67xi32>
    %add3A_27 = arith.addi %iota3A_25, %add3A_26 : vector<1x67xi32>
    %convert_element_type3A_28 = arith.sitofp %add3A_27 : vector<1x67xi32> to vector<1x67xbf16>
    %eq3A_29 = vector.broadcast %get3A_4 : vector<512x1xi32> to vector<512x67xi32>
    %eq3A_30 = arith.cmpi eq, %iota3A_20, %eq3A_29 : vector<512x67xi32>
    %ge3A = arith.constant 64 : i32
    %ge3A_31 = vector.broadcast %ge3A : i32 to vector<512x67xi32>
    %ge3A_32 = arith.cmpi sge, %iota3A_20, %ge3A_31 : vector<512x67xi32>
    %jit3A = arith.constant 1.000000e+00 : f32
    %jit3A_33 = arith.constant 0.000000e+00 : f32
    %broadcast_in_dim3A_34 = vector.broadcast %jit3A : f32 to vector<512x67xf32>
    %broadcast_in_dim3A_35 = vector.broadcast %jit3A_33 : f32 to vector<512x67xf32>
    %select_n3A = arith.select %ge3A_32, %broadcast_in_dim3A_34, %broadcast_in_dim3A_35 : vector<512x67xi1>, vector<512x67xf32>
    %broadcast_in_dim3A_36 = vector.shape_cast %get3A_7 : vector<512x1xf32> to vector<512x1xf32>
    %broadcast_in_dim3A_37 = vector.broadcast %broadcast_in_dim3A_36 : vector<512x1xf32> to vector<512x67xf32>
    %select_n3A_38 = arith.select %eq3A_30, %broadcast_in_dim3A_37, %select_n3A : vector<512x67xi1>, vector<512x67xf32>
    %ne3A = vector.broadcast %get3A_4 : vector<512x1xi32> to vector<512x67xi32>
    %ne3A_39 = arith.cmpi ne, %iota3A_20, %ne3A : vector<512x67xi32>
    %convert_element_type3A_40 = arith.truncf %select_n3A_38 : vector<512x67xf32> to vector<512x67xbf16>
    %scan3A = arith.constant 0 : i32
    %scan3A_41 = arith.constant 64 : i32
    %scan3A_42 = arith.addi %scan3A, %scan3A_41 : i32
    %scan3A_43 = arith.constant 1 : i32
    %scan3A_44:2 = scf.for %scan3A_49 = %scan3A to %scan3A_42 step %scan3A_43 iter_args(%scan3A_50 = %select_n3A_38, %scan3A_51 = %convert_element_type3A_40) -> (vector<512x67xf32>, vector<512x67xbf16>)  : i32 {
      %get3A_52 = arith.index_cast %scan3A_49 : i32 to index
      %get3A_53 = arith.constant 0 : index
      %get3A_54 = arith.constant 0 : index
      %get3A_55 = vector.load %arg9[%get3A_52, %get3A_53, %get3A_54] : memref<64x512x67xbf16, #tpu.memory_space<vmem>>, vector<1x512x67xbf16>
      %get3A_56 = vector.shape_cast %get3A_55 : vector<1x512x67xbf16> to vector<512x67xbf16>
      %mul3A = arith.mulf %get3A_56, %scan3A_51 : vector<512x67xbf16>
      %get3A_57 = arith.constant 0 : index
      %get3A_58 = arith.constant 0 : index
      %get3A_59 = vector.load %arg5[%get3A_57, %get3A_58] : memref<67x2112xbf16, #tpu.memory_space<vmem>>, vector<67x2112xbf16>
      %dot_general3A_60 = arith.constant dense<0.000000e+00> : vector<512x2112xf32>
      %dot_general3A_61 = tpu.matmul %mul3A, %get3A_59, %dot_general3A_60 {dimension_numbers = #tpu.dot_dimension_numbers<[1], [0], [0], [1], [0, 0, 1, 1], [], []>, transpose_lhs_hint = false} : vector<512x67xbf16>, vector<67x2112xbf16>, vector<512x2112xf32> -> vector<512x2112xf32>
      %slice3A_62 = vector.extract_strided_slice %dot_general3A_61 {offsets = [0, 0], sizes = [512, 2048], strides = [1, 1]} : vector<512x2112xf32> to vector<512x2048xf32>
      %convert_element_type3A_63 = arith.truncf %slice3A_62 : vector<512x2048xf32> to vector<512x2048xbf16>
      %abs3A = math.absf %convert_element_type3A_63 : vector<512x2048xbf16>
      %mul3A_64 = vector.broadcast %convert_element_type3A_24 : vector<1x2048xbf16> to vector<512x2048xbf16>
      %mul3A_65 = arith.mulf %abs3A, %mul3A_64 : vector<512x2048xbf16>
      %slice3A_66 = vector.extract_strided_slice %mul3A_65 {offsets = [0, 0], sizes = [512, 1024], strides = [1, 1]} : vector<512x2048xbf16> to vector<512x1024xbf16>
      %slice3A_67 = vector.extract_strided_slice %mul3A_65 {offsets = [0, 1024], sizes = [512, 1024], strides = [1, 1]} : vector<512x2048xbf16> to vector<512x1024xbf16>
      %add3A_68 = arith.addf %slice3A_66, %slice3A_67 : vector<512x1024xbf16>
      %slice3A_69 = vector.extract_strided_slice %add3A_68 {offsets = [0, 0], sizes = [512, 512], strides = [1, 1]} : vector<512x1024xbf16> to vector<512x512xbf16>
      %slice3A_70 = vector.extract_strided_slice %add3A_68 {offsets = [0, 512], sizes = [512, 512], strides = [1, 1]} : vector<512x1024xbf16> to vector<512x512xbf16>
      %add3A_71 = arith.addf %slice3A_69, %slice3A_70 : vector<512x512xbf16>
      %slice3A_72 = vector.extract_strided_slice %add3A_71 {offsets = [0, 0], sizes = [512, 256], strides = [1, 1]} : vector<512x512xbf16> to vector<512x256xbf16>
      %slice3A_73 = vector.extract_strided_slice %add3A_71 {offsets = [0, 256], sizes = [512, 256], strides = [1, 1]} : vector<512x512xbf16> to vector<512x256xbf16>
      %add3A_74 = arith.addf %slice3A_72, %slice3A_73 : vector<512x256xbf16>
      %slice3A_75 = vector.extract_strided_slice %add3A_74 {offsets = [0, 0], sizes = [512, 128], strides = [1, 1]} : vector<512x256xbf16> to vector<512x128xbf16>
      %slice3A_76 = vector.extract_strided_slice %add3A_74 {offsets = [0, 128], sizes = [512, 128], strides = [1, 1]} : vector<512x256xbf16> to vector<512x128xbf16>
      %add3A_77 = arith.addf %slice3A_75, %slice3A_76 : vector<512x128xbf16>
      %slice3A_78 = vector.extract_strided_slice %add3A_77 {offsets = [0, 0], sizes = [512, 64], strides = [1, 1]} : vector<512x128xbf16> to vector<512x64xbf16>
      %slice3A_79 = vector.extract_strided_slice %add3A_77 {offsets = [0, 64], sizes = [512, 64], strides = [1, 1]} : vector<512x128xbf16> to vector<512x64xbf16>
      %add3A_80 = arith.addf %slice3A_78, %slice3A_79 : vector<512x64xbf16>
      %convert_element_type3A_81 = arith.extf %add3A_80 : vector<512x64xbf16> to vector<512x64xf32>
      %slice3A_82 = vector.extract_strided_slice %dot_general3A_61 {offsets = [0, 2048], sizes = [512, 64], strides = [1, 1]} : vector<512x2112xf32> to vector<512x64xf32>
      %add3A_83 = arith.addf %convert_element_type3A_81, %slice3A_82 : vector<512x64xf32>
      %slice3A_84 = vector.extract_strided_slice %get3A_56 {offsets = [0, 66], sizes = [512, 1], strides = [1, 1]} : vector<512x67xbf16> to vector<512x1xbf16>
      %eq3A_85 = vector.broadcast %convert_element_type3A_28 : vector<1x67xbf16> to vector<512x67xbf16>
      %eq3A_86 = vector.broadcast %slice3A_84 : vector<512x1xbf16> to vector<512x67xbf16>
      %eq3A_87 = arith.cmpf oeq, %eq3A_85, %eq3A_86 : vector<512x67xbf16>
      %slice3A_88 = vector.extract_strided_slice %eq3A_87 {offsets = [0, 0], sizes = [512, 64], strides = [1, 1]} : vector<512x67xi1> to vector<512x64xi1>
      %jit3A_89 = arith.constant 0.000000e+00 : f32
      %broadcast_in_dim3A_90 = vector.broadcast %jit3A_89 : f32 to vector<512x64xf32>
      %select_n3A_91 = arith.select %slice3A_88, %add3A_83, %broadcast_in_dim3A_90 : vector<512x64xi1>, vector<512x64xf32>
      %reduce_sum3A = arith.constant dense<0.000000e+00> : vector<512xf32>
      %reduce_sum3A_92 = vector.multi_reduction <add>, %select_n3A_91, %reduce_sum3A [1] : vector<512x64xf32> to vector<512xf32>
      %broadcast_in_dim3A_93 = vector.shape_cast %reduce_sum3A_92 : vector<512xf32> to vector<512x1xf32>
      %and3A = arith.andi %eq3A_87, %ne3A_39 : vector<512x67xi1>
      %broadcast_in_dim3A_94 = vector.shape_cast %broadcast_in_dim3A_93 : vector<512x1xf32> to vector<512x1xf32>
      %broadcast_in_dim3A_95 = vector.broadcast %broadcast_in_dim3A_94 : vector<512x1xf32> to vector<512x67xf32>
      %select_n3A_96 = arith.select %and3A, %broadcast_in_dim3A_95, %scan3A_50 : vector<512x67xi1>, vector<512x67xf32>
      %convert_element_type3A_97 = arith.truncf %broadcast_in_dim3A_93 : vector<512x1xf32> to vector<512x1xbf16>
      %broadcast_in_dim3A_98 = vector.shape_cast %convert_element_type3A_97 : vector<512x1xbf16> to vector<512x1xbf16>
      %broadcast_in_dim3A_99 = vector.broadcast %broadcast_in_dim3A_98 : vector<512x1xbf16> to vector<512x67xbf16>
      %select_n3A_100 = arith.select %and3A, %broadcast_in_dim3A_99, %scan3A_51 : vector<512x67xi1>, vector<512x67xbf16>
      scf.yield %select_n3A_96, %select_n3A_100 : vector<512x67xf32>, vector<512x67xbf16>
    }
    %scan3A_45 = arith.constant 64 : i32
    %slice3A = vector.extract_strided_slice %scan3A_44#0 {offsets = [0, 0], sizes = [512, 64], strides = [1, 1]} : vector<512x67xf32> to vector<512x64xf32>
    %swap3A_46 = arith.constant 0 : index
    %swap3A_47 = arith.constant 0 : index
    %swap3A_48 = vector.load %arg8[%swap3A_46, %swap3A_47] : memref<512x64xf32, #tpu.memory_space<vmem>>, vector<512x64xf32>
    tpu.vector_store %arg8[%swap3A_46, %swap3A_47], %slice3A {strides = array<i32>} : memref<512x64xf32, #tpu.memory_space<vmem>>, vector<512x64xf32>,
    return
  }
  func.func @transform_0(%arg0: i32) -> (i32, i32, i32) {
    %c0_i32 = arith.constant 0 : i32
    %c0_i32_0 = arith.constant 0 : i32
    %c0_i32_1 = arith.constant 0 : i32
    return %arg0, %c0_i32, %c0_i32_0 : i32, i32, i32
  }
  func.func @transform_1(%arg0: i32) -> (i32, i32) {
    %c0_i32 = arith.constant 0 : i32
    %c0_i32_0 = arith.constant 0 : i32
    return %arg0, %c0_i32 : i32, i32
  }
  func.func @transform_2(%arg0: i32) -> (i32, i32) {
    %c0_i32 = arith.constant 0 : i32
    %c0_i32_0 = arith.constant 0 : i32
    return %arg0, %c0_i32 : i32, i32
  }
  func.func @transform_3(%arg0: i32) -> (i32, i32) {
    %c0_i32 = arith.constant 0 : i32
    %c0_i32_0 = arith.constant 0 : i32
    return %arg0, %c0_i32 : i32, i32
  }
  func.func @transform_4(%arg0: i32) -> (i32, i32) {
    %c0_i32 = arith.constant 0 : i32
    %c0_i32_0 = arith.constant 0 : i32
    %c0_i32_1 = arith.constant 0 : i32
    return %c0_i32, %c0_i32_0 : i32, i32
  }
  func.func @transform_5(%arg0: i32) -> (i32, i32) {
    %c0_i32 = arith.constant 0 : i32
    %c0_i32_0 = arith.constant 0 : i32
    %c0_i32_1 = arith.constant 0 : i32
    return %c0_i32, %c0_i32_0 : i32, i32
  }
  func.func @transform_6(%arg0: i32) -> (i32, i32) {
    %c0_i32 = arith.constant 0 : i32
    %c0_i32_0 = arith.constant 0 : i32
    %c0_i32_1 = arith.constant 0 : i32
    return %c0_i32, %c0_i32_0 : i32, i32
  }
  func.func @transform_7(%arg0: i32) -> (i32, i32) {
    %c0_i32 = arith.constant 0 : i32
    %c0_i32_0 = arith.constant 0 : i32
    return %arg0, %c0_i32 : i32, i32
  }
}

</mosaic_0001>

<sc_bundles>
// kernel: sparse-core-data-format-call.cloned.1.call-start
scs
called_computation_lowered:
.L_overlay_start_0:
0x0: {  	s1 =	sld [smem:$0x3FD9]  }
0x1: {  	s2 =	sld [smem:$0x3FFE];
	_ =	sdelay $0x1  }
0x2: {  	s3 =	srdreg.scid  }
0x3: {  	s0 =	sand.u32 $0x1, s3  }
0x4: {  	s17 =	sshll.u32 s0, $0xA;
	s1 =	sadd.s32 s2, s1  }
0x5: {  	s1 =	sadd.s32 s1, s17  }
0x6: {  	[smem:$0x3FC0] =	sst s1  }
0x7: {  	_ = 	snop  }
0x8: {  	(tm) =	ssettm $0x1  }
0x9: {  	s18 =	sld [smem:$0x3FFB];
	_ =	sdelay $0x3  }
0xa: {  	_ =	strace s18  }
0xb: {  	s1 =	sld [smem:$0x3FFC];
	_ =	sdelay $0x3  }
0xc: {  	_ =	strace s1  }
0xd: {  	s1 =	sld [smem:$0x3FFD];
	_ =	sdelay $0x3  }
0xe: {  	_ =	strace s1  }
0xf: {  	_ =	strace $0x8FFFFFFF  }
0x10: {  	s19 =	sld [smem:$0x3FDB];
	_ =	sdelay $0x1  }
0x11: {  	s20 =	simm.s32 $_scs_section_size  }
0x12: {  	s4 =	simm.s32 $_size__tile_overlayer_lowered;
	s5 =	simm.s32 $_tile_overlayer_lowered  }
0x13: {  	s23 =	simm.s32 $0x1BFF;
	s22 =	sshll.u32 s5, $0x1;
	s1 =	sadd.s32 s20, s19  }
0x14: {  	s6 =	simm.s32 $0x0;
	s21 =	sshll.u32 s4, $0x1;
	s4 =	sadd.s32 s22, s1  }
0x15: {  	[timem:s6], [sflag:s23] =	dma.local [hbm:s4], s21  }
0x16: {  	_ =	swait.ge [sflag:s23], s21  }
0x17: {  	s2 =	ssub.s32 $0x0, s21;
	[sflag:s23] =	ssyncset.done $0x0  }
0x18: {  	[sflag:s23] =	ssyncadd.s32 s2;
	_ =	sdelay $0x1  }
0x19: {  	s24 =	simm.s32 $0x1B8B  }
0x1a: {  	_ =	swait.ge [sflag:s24], $0x1  }
0x1b: {  	[sflag:s24] =	ssyncset.done $0x0  }
0x1c: {  	s26 =	simm.s32 $0x1B8E;
	s25 =	sld [smem:$0x3FFE];
	[sflag:s24] =	ssyncadd.s32 $0xFFFFFFFF  }
0x1d: {  	s27 =	simm.s32 $execute0_lowered;
	[smem:$0x3FD2] =	sst s26  }
0x1e: {  	s4 =	sshll.u32 s27, $0x1;
	_ =	strace $0x80000046;
	[dreg:$0x1] =	wrdreg $0xFFFFFFFF  }
0x1f: {  	s28 =	simm.s32 $_size_execute0_lowered;
	s1 =	sadd.s32 s1, s4;
	[dreg:$0x0] =	wrdreg $0x0  }
0x20: {  	s4 =	sshll.u32 s28, $0x1;
	[dreg:$0x2] =	wrdreg s1  }
0x21: {  	[dreg:$0x3] =	wrdreg s4  }
0x22: {  	[dreg:$0x4] =	wrdreg $0xC0  }
0x23: {  	_ =	task [dreg:s6], $0x5FFFF  }
0x24: {  	[dreg:$0x1] =	wrdreg $0xFFFFFFFF  }
0x25: {  	[dreg:$0x0] =	wrdreg $0x60  }
0x26: {  	[dreg:$0x2] =	wrdreg s25  }
0x27: {  	[dreg:$0x3] =	wrdreg $0x9  }
0x28: {  	_ =	task.clear_ibuf [dreg:s6], $0x4FFFF;
	_ =	strace $0x90000046  }
0x29: {  	s29 =	simm.s32 $0x9;
	_ =	strace $0x80000048  }
0x2a: {  	_ =	swait.ge [sflag:s29], $0x1  }
0x2b: {  	[sflag:s29] =	ssyncadd.s32 $0xFFFFFFFF  }
0x2c: {  	_ =	strace $0x90000048  }
0x2d: {  	_ =	sfence  }
0x2e: {  	s30 =	sld [smem:$0x0];
	_ =	sdelay $0x2  }
0x2f: {  	s31 =	sshll.u32 s3, $0xD;
	s3 =	sshrl.u32 s3, $0x2  }
0x30: {  	s2 =	sand.u32 $0x4000, s31;
	s1 =	sadd.s32 s3, s30  }
0x31: {  	s0 =	sor.u32 s2, s0;
	s1 =	sshll.u32 s1, $0x11  }
0x32: {  	s0 =	sor.u32 s1, s0  }
0x33: {  	s0 =	sadd.s32 $0x8F2B, s0  }
0x34: {  	[sflag:s0] =	ssyncadd.remote.s32 $0x1  }
0x35: {  	_ =	sfence.sel $0xFFFF  }
0x36: {  	[dreg:$0x0] =	wrdreg $0xFFFFFFFF;
	(pc) =	sbr.abs _section_cstart, $3  }
0x37: {  	[dreg:$0x1] =	wrdreg $0xFFFFFFFF  }
0x38: {  	_ =	task.clear_ibuf [dreg:s6], $0x2FFFF;
	_ =	strace $0x9FFFFFFF  }
0x39: {  	(tm) =	ssettm $0x7FFFFFFF  }
tec
execute0_lowered:
.L_overlay_start_1:
0x0: {  	(tag) =	ssettag $0x1  }
0x1: {  	s0 =	srdreg.scid  }
0x2: {  	s5 =	rddreg [dreg:$0x0];
	s7 =	simm.s32 $0x1;
	s1 =	sshll.u32 s0, $0x4  }
0x3: {  	s8 =	simm.s32 $0x2;
	s0 =	stileid.u32;
	s1 =	sand.u32 $0x10, s1  }
0x4: {  	s13 =	simm.s32 $0x0;
	s15 =	simm.s32 $0x0;
	s1 =	sor.u32 s0, s1  }
0x5: {  	s14 =	simm.s32 $0x0;
	s9 =	simm.s32 $0x0;
	s2 =	sshll.u32 s1, $0x1  }
0x6: {  	s11 =	simm.s32 $0x0;
	s12 =	simm.s32 $0x0;
	s6 =	ssub.s32 $0x40, s2  }
0x7: {  	s3 =	sadd.s32 $0x1200, s5;
	s5 =	sadd.s32 $0x101200, s5;
	s4 =	sand.u32 $0x3E, s6  }
.Ltmp0:
0x8: {  	s1 =	rddreg [dreg:$0x1];
	p0 =	sne.s32 s4, $0x0;
	(pc) =	sbr.rel .LBB1_1-.Ltmp0, $4  }
0x9: {  	_ =	strace $0x80000047;
	s6 =	sshrl.u32 s6, $0x6;
	s7 =	simm.s32 @!p0 $0x0  }
0xa: {  	s10 =	smov.u32 s2;
	s4 =	simm.s32 $0x1;
	s6 =	sadd.s32 s7, s6  }
0xb: {  	[sflag:s4] =	ssyncpa.u1 $0x0;
	p0 =	por $0x0, $0x0;
	s6 =	sshll.u32 s6, $0x5  }
0xc: {  	[sflag:s8] =	ssyncpa.u1 $0x0;
	s8 =	simm.s32 $0x1000;
	s7 =	sor.u32 $0x1, s6  }
.LBB1_4:
0xd: {  	v5 =	vld [tilespmem:s17+$0xFFFFFFD0];
	[tilespmem:s19+$0x1040 ss:$0x41] =	vst.msk $0xffff, v2  }
0xe: {  	v58 =	vld [tilespmem:s17+$0xFFFFFFE0];
	[tilespmem:s19+$0x1450 ss:$0x41] =	vst.msk $0xffff, v3  }
0xf: {  	s20 =	sshra.s32 s20, $0x2;
	v59 =	vld [tilespmem:s17+$0xFFFFFFF0];
	[tilespmem:s19+$0x1860 ss:$0x41] =	vst.msk $0xffff, v4  }
0x10: {  	v60 =	vld [tilespmem:s17+$0x0];
	[tilespmem:s19+$0x0 ss:$0x41] =	vst.msk $0xffff, v0;
	s18 =	sadd.s32 s20, s18  }
0x11: {  	s15 =	sshll.u32 s15, $0x7;
	s26 =	sshll.u32 s14, $0x3;
	v61 =	vld [tilespmem:s17+$0x10];
	[tilespmem:s18+$0x1C70 ss:$0x41] =	vst.msk $0xffff, v1  }
0x12: {  	v62 =	vld [tilespmem:s17+$0x20];
	s27 =	sand.u32 $0x1C00, s15;
	s19 =	sand.u32 $0x1C00, s26;
	[tilespmem:s18+$0x410 ss:$0x41] =	vst.msk $0xffff, v5  }
0x13: {  	s28 =	sshll.u32 s14, $0x1;
	v63 =	vld [tilespmem:s17+$0xFFFFFFC0];
	s15 =	sand.u32 $0x300, s15;
	s19 =	sadd.s32 s19, s27;
	[tilespmem:s18+$0x820 ss:$0x41] =	vst.msk $0xffff, v58  }
0x14: {  	s30 =	sshrl.u32 s14, $0x3;
	s29 =	sand.u32 $0x80, s28;
	s15 =	sor.u32 s15, s19;
	[tilespmem:s18+$0xC30 ss:$0x41] =	vst.msk $0xffff, v59  }
0x15: {  	s13 =	sshll.u32 s13, $0x9;
	s17 =	sand.u32 $0x7, s30;
	s15 =	sor.u32 s29, s15;
	[tilespmem:s18+$0x1040 ss:$0x41] =	vst.msk $0xffff, v60  }
0x16: {  	s31 =	sand.u32 $0x7, s14;
	s17 =	sadd.s32 s5, s17;
	s15 =	sshrl.u32 s15, $0x4;
	[tilespmem:s18+$0x1450 ss:$0x41] =	vst.msk $0xffff, v61  }
0x17: {  	s14 =	sshll.u32 s31, $0x12;
	s13 =	sadd.s32 s13, s17;
	[tilespmem:s18+$0x1860 ss:$0x41] =	vst.msk $0xffff, v62;
	s15 =	sand.u32 $0x1F8, s15  }
0x18: {  	s14 =	sor.u32 $0x40, s14;
	[tilespmem:s18+$0x0 ss:$0x41] =	vst.msk $0xffff, v63;
	s13 =	sadd.s32 s15, s13  }
0x19: {  	[hbm4b:s13+s14] =	stream.strided.scatter [tilespmem:s16], [sflag:$0x2], $0x2000, s8, s14, $0x18;
	[tilespmem:$0x8100] =	vst v63  }
.LBB1_5:
0x1a: {  	s16 =	sadd.s32 $0x80, s9  }
0x1b: {  	s13 =	sadd.s32 $0x40, s10;
	s17 =	smov.u32 s10;
	p2 =	sgt.s32 s16, $0xFFF  }
0x1c: {  	s17 =	smov.u32 @p2 s13  }
0x1d: {  	s19 =	smov.u32 s11;
	s13 =	sadd.s32 $0x40, s11;
	p3 =	sgt.s32 s17, $0x3F  }
0x1e: {  	s19 =	smov.u32 @p3 s13  }
0x1f: {  	s16 =	simm.s32 @p2 $0x0;
	p2 =	sgt.s32 s19, $0x3F  }
0x20: {  	p1 =	slt.u32 s12, $0x2;
	s19 =	simm.s32 @p2 $0x0;
	p2 =	sne.s32 s12, s7  }
.Ltmp1:
0x21: {  	s18 =	simm.s32 @!p1 $0x2;
	(pc) =	sbr.rel @!p2 .LBB1_6-.Ltmp1, $4  }
0x22: {  	s15 =	smov.u32 s10;
	s14 =	smov.u32 s11;
	_ =	swait.ge @!p1 [sflag:s18], $0x2000  }
0x23: {  	p0 =	por !p0, !p0;
	[sflag:s18] =	ssyncset.done @!p1 $0x0;
	s17 =	smov.u32 @p3 s2  }
0x24: {  	s13 =	smov.u32 s9;
	[sflag:s18] =	ssyncadd.s32 @!p1 $0xFFFFE000;
	s9 =	smov.u32 s16  }
0x25: {  	s10 =	smov.u32 s17;
	s12 =	sadd.s32 $0x1, s12;
	s11 =	smov.u32 s19  }
.LBB1_1:
0x26: {  	p1 =	sge.u32 s12, s6  }
0x27: {  	s31 =	sadd.s32 $0xFFFFFFFF, s12;
	s16 =	sshll.u32 @!p1 s10, $0xC  }
0x28: {  	s17 =	sxor.u32 @!p1 $0xFFFFFFFF, s12;
	s18 =	sshll.u32 @!p1 s9, $0x3;
	s19 =	sshll.u32 @!p1 s10, $0x7  }
0x29: {  	s20 =	sshll.u32 @!p1 s9, $0x1;
	s16 =	sand.u32 @!p1 $0x38000, s16;
	s19 =	sand.u32 @!p1 $0x300, s19  }
0x2a: {  	s20 =	sand.u32 @!p1 $0xF0, s20;
	s16 =	sadd.s32 @!p1 s16, s18;
	s18 =	sand.u32 @!p1 $0xC00, s18  }
0x2b: {  	s18 =	sor.u32 @!p1 s19, s18;
	s19 =	sshll.u32 @!p1 s11, $0xE;
	s16 =	sshrl.u32 @!p1 s16, $0x4  }
0x2c: {  	s18 =	sor.u32 @!p1 s20, s18;
	s16 =	sand.u32 @!p1 $0x3F00, s16;
	s19 =	sadd.s32 @!p1 s3, s19  }
0x2d: {  	s18 =	sshrl.u32 @!p1 s18, $0x4;
	s16 =	sadd.s32 @!p1 s16, s19;
	s19 =	sand.u32 @!p1 $0x7, s9  }
0x2e: {  	s17 =	sshll.u32 @!p1 s17, $0xD;
	s16 =	sadd.s32 @!p1 s18, s16;
	s18 =	sshll.u32 @!p1 s19, $0x12  }
0x2f: {  	s17 =	sand.u32 @!p1 $0x2000, s17;
	s19 =	simm.s32 @!p1 $0x20000;
	s18 =	sor.u32 @!p1 $0x80, s18  }
0x30: {  	[tilespmem:s17], [sflag:$0x1] =	stream.strided.gather @!p1 [hbm4b:s16+s18], $0x2000, s19, s18, $0x38;
	[tilespmem:$0x8100] =	vst v63  }
0x31: {  	p1 =	sge.u32 s31, s6  }
.Ltmp2:
0x32: {  	_ = 	snop;
	(pc) =	sbr.rel @p1 .LBB1_5-.Ltmp2, $1  }
0x33: {  	_ =	sdelay $0x3  }
0x34: {  	s16 =	simm.s32 $0x1  }
0x35: {  	_ =	swait.ge [sflag:s4], $0x2000;
	s16 =	simm.s32 @!p0 $0x0  }
0x36: {  	[sflag:s4] =	ssyncset.done $0x0;
	s17 =	sshll.u32 s16, $0xD  }
0x37: {  	[sflag:s4] =	ssyncadd.s32 $0xFFFFE000;
	s17 =	sor.u32 $0x40, s17  }
0x38: {  	s16 =	smul.u32 $0x8200, s16;
	v0 =	vld [tilespmem:s17+$0x30]  }
0x39: {  	v1 =	vld [tilespmem:s17+$0xFFFFFFD0]  }
0x3a: {  	s16 =	sshrl.u32 s16, $0x2;
	v5 =	vld [tilespmem:s17+$0xFFFFFFE0]  }
0x3b: {  	v6 =	vld [tilespmem:s17+$0xFFFFFFF0];
	s18 =	sor.u32 $0x4000, s16  }
0x3c: {  	s31 =	sand.u32 $0x1, s12;
	v2 =	vld [tilespmem:s17+$0x0];
	s19 =	sadd.s32 $0x0, s18  }
0x3d: {  	v3 =	vld [tilespmem:s17+$0x10];
	s16 =	smul.u32 $0x8200, s31;
	[tilespmem:s19+$0x1C70 ss:$0x41] =	vst.msk $0xffff, v0  }
0x3e: {  	v4 =	vld [tilespmem:s17+$0x20];
	[tilespmem:s19+$0x410 ss:$0x41] =	vst.msk $0xffff, v1  }
0x3f: {  	s16 =	sshrl.u32 s16, $0x2;
	v0 =	vld [tilespmem:s17+$0xFFFFFFC0];
	[tilespmem:s19+$0x820 ss:$0x41] =	vst.msk $0xffff, v5;
	s17 =	sadd.s32 $0x80, s17  }
0x40: {  	s20 =	simm.s32 $0x4;
	s21 =	simm.s32 $0x8;
	s16 =	sor.u32 $0x4000, s16;
	[tilespmem:s19+$0xC30 ss:$0x41] =	vst.msk $0xffff, v6;
	v1 =	vld [tilespmem:s17+$0x30]  }
.LBB1_3:
0x41: {  	p1 =	sne.s32 s21, $0xFC;
	v5 =	vld [tilespmem:s17+$0xFFFFFFD0];
	[tilespmem:s19+$0x1040 ss:$0x41] =	vst.msk $0xffff, v2  }
0x42: {  	v6 =	vld [tilespmem:s17+$0xFFFFFFE0];
	[tilespmem:s19+$0x1450 ss:$0x41] =	vst.msk $0xffff, v3  }
0x43: {  	s22 =	sshra.s32 s20, $0x2;
	s20 =	smov.u32 s21;
	v7 =	vld [tilespmem:s17+$0xFFFFFFF0];
	[tilespmem:s19+$0x1860 ss:$0x41] =	vst.msk $0xffff, v4  }
.Ltmp3:
0x44: {  	v2 =	vld [tilespmem:s17+$0x0];
	[tilespmem:s19+$0x0 ss:$0x41] =	vst.msk $0xffff, v0;
	s19 =	sadd.s32 s22, s18;
	(pc) =	sbr.rel @p1 .LBB1_3-.Ltmp3, $4  }
0x45: {  	v3 =	vld [tilespmem:s17+$0x10];
	[tilespmem:s19+$0x1C70 ss:$0x41] =	vst.msk $0xffff, v1  }
0x46: {  	[tilespmem:s19+$0x410 ss:$0x41] =	vst.msk $0xffff, v5;
	v4 =	vld [tilespmem:s17+$0x20]  }
0x47: {  	v0 =	vld [tilespmem:s17+$0xFFFFFFC0];
	[tilespmem:s19+$0x820 ss:$0x41] =	vst.msk $0xffff, v6;
	s17 =	sadd.s32 $0x80, s17  }
0x48: {  	s21 =	sadd.s32 $0x4, s21;
	v1 =	vld [tilespmem:s17+$0x30];
	[tilespmem:s19+$0xC30 ss:$0x41] =	vst.msk $0xffff, v7  }
.Ltmp4:
0x49: {  	_ = 	snop;
	(pc) =	sbr.rel .LBB1_4-.Ltmp4, $1  }
0x4a: {  	_ =	sdelay $0x3  }
.LBB1_6:
0x4b: {  	_ =	sfence.sel $0x180000  }
0x4c: {  	s2 =	simm.s32 $0x1;
	[bflag:$0x0] =	sbarrier.arrive $0xFFFF  }
0x4d: {  	s31 =	simm.s32 $0x2;
	[sflag:s2] =	ssyncpa.u1 $0x1  }
0x4e: {  	[sflag:s31] =	ssyncpa.u1 $0x1  }
0x4f: {  	p0 =	sne.s32 s0, $0x0;
	_ =	strace $0x90000047  }
0x50: {  	s0 =	sadd.s32 @!p0 $0x100000, s1;
	[bflag:$0x2] =	sbarrier.arrive $0xFFFF  }
0x51: {  	[sflag:s0] =	ssyncadd.tile.s32 @!p0 $0x1;
	_ =	shalt  }
.Lfunc_end1:
_tile_overlayer_lowered:
.L_overlay_start_2:
0x52: {  	(tag) =	ssettag $0x2  }
0x53: {  	s0 =	rddreg [dreg:$0x0];
	s2 =	stileid.u32  }
0x54: {  	s1 =	rddreg [dreg:$0x1];
	p0 =	sne.s32 s2, $0x0  }
0x55: {  	s3 =	rddreg [dreg:$0x2];
	[bflag:$0x3] =	sbarrier.arrive $0xFFFF;
	s2 =	simm.s32 @!p0 $0x1C01  }
0x56: {  	[timem:s3], [sflag:s2] =	dma.local @!p0 [hbm:s0], s1  }
0x57: {  	s0 =	simm.s32 @!p0 $0x1  }
0x58: {  	_ =	swait.ge @!p0 [sflag:s0], s1  }
0x59: {  	s1 =	ssub.s32 @!p0 $0x0, s1;
	[sflag:s0] =	ssyncset.done @!p0 $0x0  }
0x5a: {  	[sflag:s0] =	ssyncadd.s32 @!p0 s1  }
0x5b: {  	[bflag:$0x3] =	sbarrier.arrive $0xFFFF  }
0x5c: {  	_ =	shalt  }

</sc_bundles>
